<compile_context>
chip_gen: v7x
topology: tpu7x:2x2x1
jax: 0.10.2.dev20260603
libtpu: 0.0.44.dev20260713+nightly
codegen_flags: <defaults>
</compile_context>

<pallas_src>
import functools

import jax
import jax.numpy as jnp
from jax import lax
from jax.experimental import pallas as pl
from jax.experimental.pallas import tpu as pltpu
from jax.experimental.pallas import tpu_sc as plsc

N = 10000
D = 128
E = 320000
EPS = 1e-5

NC = 2
NS = 16
NW = NC * NS
C = 125
K = 80
KH = K // 2
KH2 = KH // 2
ROWS_ACC = 10112
RPS = ROWS_ACC // NS

_mesh = plsc.VectorSubcoreMesh(core_axis_name="c", subcore_axis_name="s")


@functools.partial(
    pl.kernel,
    mesh=_mesh,
    out_type=jax.ShapeDtypeStruct((NC, ROWS_ACC, D), jnp.float32),
    scratch_types=[
        pltpu.VMEM((KH, C), jnp.int32),
        pltpu.VMEM((KH, C), jnp.int32),
        pltpu.VMEM((C, D), jnp.float32),
        pltpu.VMEM((C, D), jnp.float32),
        pltpu.VMEM_SHARED((ROWS_ACC, D), jnp.float32),
        pltpu.SemaphoreType.DMA,
        pltpu.SemaphoreType.DMA,
    ],
)
def _sc_scatter(ed_hbm, h_hbm, zeros_hbm, out_hbm,
                src_v, dst_v, buf_a, buf_b, acc, sem_ga, sem_gb):
    c = lax.axis_index("c")
    s = lax.axis_index("s")
    w = s * NC + c

    pltpu.sync_copy(zeros_hbm, acc.at[pl.ds(s * RPS, RPS)])
    plsc.subcore_barrier()

    for p in range(2):
        pltpu.sync_copy(ed_hbm.at[0, w, pl.ds(p * KH, KH)], src_v)
        pltpu.sync_copy(ed_hbm.at[1, w, pl.ds(p * KH, KH)], dst_v)
        pltpu.async_copy(h_hbm.at[src_v.at[0]], buf_a, sem_ga)

        def body(i, carry):
            ja = 2 * i
            jb = 2 * i + 1
            pltpu.async_copy(h_hbm.at[src_v.at[jb]], buf_b, sem_gb)
            pltpu.make_async_copy(h_hbm.at[src_v.at[ja]], buf_a, sem_ga).wait()
            pltpu.sync_copy(buf_a, acc.at[dst_v.at[ja]], add=True)

            @pl.when(i < KH2 - 1)
            def _():
                pltpu.async_copy(h_hbm.at[src_v.at[ja + 2]], buf_a, sem_ga)

            pltpu.make_async_copy(h_hbm.at[src_v.at[jb]], buf_b, sem_gb).wait()
            pltpu.sync_copy(buf_b, acc.at[dst_v.at[jb]], add=True)
            return carry

        lax.fori_loop(0, KH2, body, 0, unroll=False)
    plsc.subcore_barrier()
    pltpu.sync_copy(acc.at[pl.ds(s * RPS, RPS)],
                    out_hbm.at[c, pl.ds(s * RPS, RPS)])


def _tc_mm_bn(p_ref, w_ref, g_ref, b_ref, o_ref):
    agg = p_ref[0, :N, :] + p_ref[1, :N, :]
    z = lax.dot_general(agg, w_ref[...], (((1,), (1,)), ((), ())),
                        preferred_element_type=jnp.float32)
    mean = jnp.mean(z, axis=0, keepdims=True)
    zc = z - mean
    var = jnp.mean(zc * zc, axis=0, keepdims=True)
    o_ref[...] = zc * lax.rsqrt(var + EPS) * g_ref[...] + b_ref[...]


def kernel(h, edge_index, W, gamma, beta):
    ed = edge_index.astype(jnp.int32).reshape(2, NW, K, C)
    zeros = jnp.zeros((RPS, D), jnp.float32)

    partial = _sc_scatter(ed, h, zeros)

    out = pl.pallas_call(
        _tc_mm_bn,
        out_shape=jax.ShapeDtypeStruct((N, D), jnp.float32),
    )(partial, W, gamma.reshape(1, D), beta.reshape(1, D))
    return out

# --- scband reference (transcript-rebuilt; emitter-appended) ---
"""Pipeline reference for scband-simple-gatsingle-head-layer-isotropic-83476984365542 (READ-ONLY COPY).

The authoritative reference and input builder live on the scoring server;
editing this copy changes nothing except your own understanding.
"""

import jax, jax.numpy as jnp
import numpy as np

N = 10000
E = 320000
D = 128
EPS = 1e-5

def setup_inputs(seed: int = 0) -> dict:
    key = jax.random.key(seed)
    k1, k2, k3 = jax.random.split(key, 3)
    h = jax.random.normal(k1, (N, D), dtype=jnp.float32)
    edge_index = jax.random.randint(k2, (2, E), 0, N)
    # learned params: single linear layer (n_mlp_layer=1, bias=False) + batchnorm affine
    W = jax.random.normal(k3, (D, D), dtype=jnp.float32) * 0.05  # (outdim, indim)
    gamma = jnp.ones((D,), dtype=jnp.float32)
    beta = jnp.zeros((D,), dtype=jnp.float32)
    return {"h": h, "edge_index": edge_index, "W": W, "gamma": gamma, "beta": beta}

def reference(h, edge_index, W, gamma, beta):
    # z = linear(h), no bias
    z = h @ W.T
    src = edge_index[0]
    dst = edge_index[1]
    # message: z from src; reduce: sum over incoming edges at dst
    agg = jnp.zeros_like(z).at[dst].add(z[src])
    # BatchNorm1d (training-mode batch statistics, affine)
    mean = jnp.mean(agg, axis=0)
    var = jnp.var(agg, axis=0)
    out = (agg - mean) / jnp.sqrt(var + EPS) * gamma + beta
    # dropout p=0.0 -> identity
    return out

if __name__ == "__main__":
    import jax
    _d = setup_inputs()
    print(jax.jit(kernel)(*tuple(_d.values())))

</pallas_src>

<mosaic_0001>
#map = affine_map<(d0, d1) -> (0, 0, 0, 0)>
#map1 = affine_map<(d0, d1) -> (0, 0)>
#map2 = affine_map<(d0, d1) -> (0, 0, 0)>
module attributes {stable_mosaic.version = 14 : i64} {
  func.func @_sc_scatter(%arg0: i32, %arg1: i32, %arg2: memref<2x32x80x125xi32, #tpu.memory_space<hbm>>, %arg3: memref<10000x128xf32, #tpu.memory_space<hbm>>, %arg4: memref<632x128xf32, #tpu.memory_space<hbm>>, %arg5: memref<2x10112x128xf32, #tpu.memory_space<hbm>>, %arg6: memref<40x125xi32, #tpu.memory_space<vmem>>, %arg7: memref<40x125xi32, #tpu.memory_space<vmem>>, %arg8: memref<125x128xf32, #tpu.memory_space<vmem>>, %arg9: memref<125x128xf32, #tpu.memory_space<vmem>>, %arg10: memref<10112x128xf32, #tpu.memory_space<vmem_shared>>, %arg11: memref<!tpu.dma_semaphore, #tpu.memory_space<semaphore_mem>>, %arg12: memref<!tpu.dma_semaphore, #tpu.memory_space<semaphore_mem>>) attributes {dimension_semantics = [#tpu.dimension_semantics<core_parallel>, #tpu.dimension_semantics<subcore_parallel>], iteration_bounds = array<i64: 2, 16>, scalar_prefetch = 0 : i64, scratch_operands = 7 : i64, tpu.core_type = #tpu.core_type<sc_vector_subcore>, window_params = [{transform_indices = #map}, {transform_indices = #map1}, {transform_indices = #map1}, {transform_indices = #map2}]} {
    %mul3A = arith.constant 2 : i32
    %mul3A_0 = arith.muli %arg1, %mul3A : i32
    %add3A = arith.addi %mul3A_0, %arg0 : i32
    %mul3A_1 = arith.constant 632 : i32
    %mul3A_2 = arith.muli %arg1, %mul3A_1 : i32
    "tpu.region"() ({
      %run_scoped3A_35 = tpu.sem_alloc : memref<!tpu.dma_semaphore, #tpu.memory_space<semaphore_mem>>
      %dma_start3A_36 = arith.constant 0 : i32
      %dma_start3A_37 = tpu.memref_slice %arg10[%mul3A_2, %dma_start3A_36] : memref<10112x128xf32, #tpu.memory_space<vmem_shared>> -> memref<632x128xf32, #tpu.memory_space<vmem_shared>>
      tpu.enqueue_dma source(%arg4 : memref<632x128xf32, #tpu.memory_space<hbm>>) target(%dma_start3A_37 : memref<632x128xf32, #tpu.memory_space<vmem_shared>>) target_semaphore(%run_scoped3A_35 : memref<!tpu.dma_semaphore, #tpu.memory_space<semaphore_mem>>)
      %dma_wait3A = arith.constant 0 : i32
      %dma_wait3A_38 = tpu.memref_slice %arg10[%mul3A_2, %dma_wait3A] : memref<10112x128xf32, #tpu.memory_space<vmem_shared>> -> memref<632x128xf32, #tpu.memory_space<vmem_shared>>
      tpu.wait_dma2 semaphore(%run_scoped3A_35 : memref<!tpu.dma_semaphore, #tpu.memory_space<semaphore_mem>>) src(%arg4 : memref<632x128xf32, #tpu.memory_space<hbm>>) dst(%dma_wait3A_38 : memref<632x128xf32, #tpu.memory_space<vmem_shared>>)
      tpu.yield
    }) : () -> ()
    %barrier3A = arith.constant 0 : index
    tpu.barrier barrier_id(%barrier3A)
    %run_scoped3A = arith.constant 0 : i32
    "tpu.region"() ({
      %run_scoped3A_35 = tpu.sem_alloc : memref<!tpu.dma_semaphore, #tpu.memory_space<semaphore_mem>>
      %dma_start3A_36 = arith.constant 0 : i32
      %dma_start3A_37 = arith.constant 0 : i32
      %dma_start3A_38 = tpu.memref_slice %arg2[%run_scoped3A, %add3A, %dma_start3A_36, %dma_start3A_37] : memref<2x32x80x125xi32, #tpu.memory_space<hbm>> -> memref<1x1x40x125xi32, #tpu.memory_space<hbm>>
      %dma_start3A_39 = tpu.memref_squeeze %dma_start3A_38 : memref<1x1x40x125xi32, #tpu.memory_space<hbm>> -> memref<40x125xi32, #tpu.memory_space<hbm>>
      %dma_start3A_40 = arith.constant 0 : i32
      %dma_start3A_41 = arith.constant 0 : i32
      %dma_start3A_42 = tpu.memref_slice %arg2[%run_scoped3A, %add3A, %dma_start3A_40, %dma_start3A_41] : memref<2x32x80x125xi32, #tpu.memory_space<hbm>> -> memref<1x1x40x125xi32, #tpu.memory_space<hbm>>
      %dma_start3A_43 = tpu.memref_squeeze %dma_start3A_42 : memref<1x1x40x125xi32, #tpu.memory_space<hbm>> -> memref<40x125xi32, #tpu.memory_space<hbm>>
      tpu.enqueue_dma source(%dma_start3A_43 : memref<40x125xi32, #tpu.memory_space<hbm>>) target(%arg6 : memref<40x125xi32, #tpu.memory_space<vmem>>) target_semaphore(%run_scoped3A_35 : memref<!tpu.dma_semaphore, #tpu.memory_space<semaphore_mem>>)
      %dma_wait3A = arith.constant 0 : i32
      %dma_wait3A_44 = arith.constant 0 : i32
      %dma_wait3A_45 = tpu.memref_slice %arg2[%run_scoped3A, %add3A, %dma_wait3A, %dma_wait3A_44] : memref<2x32x80x125xi32, #tpu.memory_space<hbm>> -> memref<1x1x40x125xi32, #tpu.memory_space<hbm>>
      %dma_wait3A_46 = tpu.memref_squeeze %dma_wait3A_45 : memref<1x1x40x125xi32, #tpu.memory_space<hbm>> -> memref<40x125xi32, #tpu.memory_space<hbm>>
      %dma_wait3A_47 = arith.constant 0 : i32
      %dma_wait3A_48 = arith.constant 0 : i32
      %dma_wait3A_49 = tpu.memref_slice %arg2[%run_scoped3A, %add3A, %dma_wait3A_47, %dma_wait3A_48] : memref<2x32x80x125xi32, #tpu.memory_space<hbm>> -> memref<1x1x40x125xi32, #tpu.memory_space<hbm>>
      %dma_wait3A_50 = tpu.memref_squeeze %dma_wait3A_49 : memref<1x1x40x125xi32, #tpu.memory_space<hbm>> -> memref<40x125xi32, #tpu.memory_space<hbm>>
      tpu.wait_dma2 semaphore(%run_scoped3A_35 : memref<!tpu.dma_semaphore, #tpu.memory_space<semaphore_mem>>) src(%dma_wait3A_50 : memref<40x125xi32, #tpu.memory_space<hbm>>) dst(%arg6 : memref<40x125xi32, #tpu.memory_space<vmem>>)
      tpu.yield
    }) : () -> ()
    %run_scoped3A_3 = arith.constant 1 : i32
    "tpu.region"() ({
      %run_scoped3A_35 = tpu.sem_alloc : memref<!tpu.dma_semaphore, #tpu.memory_space<semaphore_mem>>
      %dma_start3A_36 = arith.constant 0 : i32
      %dma_start3A_37 = arith.constant 0 : i32
      %dma_start3A_38 = tpu.memref_slice %arg2[%run_scoped3A_3, %add3A, %dma_start3A_36, %dma_start3A_37] : memref<2x32x80x125xi32, #tpu.memory_space<hbm>> -> memref<1x1x40x125xi32, #tpu.memory_space<hbm>>
      %dma_start3A_39 = tpu.memref_squeeze %dma_start3A_38 : memref<1x1x40x125xi32, #tpu.memory_space<hbm>> -> memref<40x125xi32, #tpu.memory_space<hbm>>
      %dma_start3A_40 = arith.constant 0 : i32
      %dma_start3A_41 = arith.constant 0 : i32
      %dma_start3A_42 = tpu.memref_slice %arg2[%run_scoped3A_3, %add3A, %dma_start3A_40, %dma_start3A_41] : memref<2x32x80x125xi32, #tpu.memory_space<hbm>> -> memref<1x1x40x125xi32, #tpu.memory_space<hbm>>
      %dma_start3A_43 = tpu.memref_squeeze %dma_start3A_42 : memref<1x1x40x125xi32, #tpu.memory_space<hbm>> -> memref<40x125xi32, #tpu.memory_space<hbm>>
      tpu.enqueue_dma source(%dma_start3A_43 : memref<40x125xi32, #tpu.memory_space<hbm>>) target(%arg7 : memref<40x125xi32, #tpu.memory_space<vmem>>) target_semaphore(%run_scoped3A_35 : memref<!tpu.dma_semaphore, #tpu.memory_space<semaphore_mem>>)
      %dma_wait3A = arith.constant 0 : i32
      %dma_wait3A_44 = arith.constant 0 : i32
      %dma_wait3A_45 = tpu.memref_slice %arg2[%run_scoped3A_3, %add3A, %dma_wait3A, %dma_wait3A_44] : memref<2x32x80x125xi32, #tpu.memory_space<hbm>> -> memref<1x1x40x125xi32, #tpu.memory_space<hbm>>
      %dma_wait3A_46 = tpu.memref_squeeze %dma_wait3A_45 : memref<1x1x40x125xi32, #tpu.memory_space<hbm>> -> memref<40x125xi32, #tpu.memory_space<hbm>>
      %dma_wait3A_47 = arith.constant 0 : i32
      %dma_wait3A_48 = arith.constant 0 : i32
      %dma_wait3A_49 = tpu.memref_slice %arg2[%run_scoped3A_3, %add3A, %dma_wait3A_47, %dma_wait3A_48] : memref<2x32x80x125xi32, #tpu.memory_space<hbm>> -> memref<1x1x40x125xi32, #tpu.memory_space<hbm>>
      %dma_wait3A_50 = tpu.memref_squeeze %dma_wait3A_49 : memref<1x1x40x125xi32, #tpu.memory_space<hbm>> -> memref<40x125xi32, #tpu.memory_space<hbm>>
      tpu.wait_dma2 semaphore(%run_scoped3A_35 : memref<!tpu.dma_semaphore, #tpu.memory_space<semaphore_mem>>) src(%dma_wait3A_50 : memref<40x125xi32, #tpu.memory_space<hbm>>) dst(%arg7 : memref<40x125xi32, #tpu.memory_space<vmem>>)
      tpu.yield
    }) : () -> ()
    %dma_start3A = arith.constant 0 : i32
    %dma_start3A_4 = arith.constant 0 : i32
    %dma_start3A_5 = tpu.memref_slice %arg6[%dma_start3A, %dma_start3A_4] : memref<40x125xi32, #tpu.memory_space<vmem>> -> memref<1x125xi32, #tpu.memory_space<vmem>>
    %dma_start3A_6 = tpu.memref_squeeze %dma_start3A_5 : memref<1x125xi32, #tpu.memory_space<vmem>> -> memref<125xi32, #tpu.memory_space<vmem>>
    %dma_start3A_7 = arith.constant 0 : i32
    %dma_start3A_8 = arith.constant 0 : i32
    %dma_start3A_9 = tpu.memref_slice %arg3[%dma_start3A_7, %dma_start3A_8] : memref<10000x128xf32, #tpu.memory_space<hbm>> -> memref<10000x128xf32, #tpu.memory_space<hbm>>
    tpu.enqueue_indirect_dma source(%dma_start3A_9 : memref<10000x128xf32, #tpu.memory_space<hbm>>) target(%arg8 : memref<125x128xf32, #tpu.memory_space<vmem>>) offsets(%dma_start3A_6 : memref<125xi32, #tpu.memory_space<vmem>>) semaphore(%arg11 : memref<!tpu.dma_semaphore, #tpu.memory_space<semaphore_mem>>)
    %scan3A = arith.constant 0 : i32
    %scan3A_10 = arith.constant 0 : i32
    %scan3A_11 = arith.constant 20 : i32
    %scan3A_12 = arith.addi %scan3A_10, %scan3A_11 : i32
    %scan3A_13 = arith.constant 1 : i32
    scf.for %scan3A_35 = %scan3A_10 to %scan3A_12 step %scan3A_13  : i32 {
      %mul3A_36 = arith.constant 2 : i32
      %mul3A_37 = arith.muli %mul3A_36, %scan3A_35 : i32
      %mul3A_38 = arith.constant 2 : i32
      %mul3A_39 = arith.muli %mul3A_38, %scan3A_35 : i32
      %add3A_40 = arith.constant 1 : i32
      %add3A_41 = arith.addi %mul3A_39, %add3A_40 : i32
      %dma_start3A_42 = arith.constant 0 : i32
      %dma_start3A_43 = tpu.memref_slice %arg6[%add3A_41, %dma_start3A_42] : memref<40x125xi32, #tpu.memory_space<vmem>> -> memref<1x125xi32, #tpu.memory_space<vmem>>
      %dma_start3A_44 = tpu.memref_squeeze %dma_start3A_43 : memref<1x125xi32, #tpu.memory_space<vmem>> -> memref<125xi32, #tpu.memory_space<vmem>>
      %dma_start3A_45 = arith.constant 0 : i32
      %dma_start3A_46 = arith.constant 0 : i32
      %dma_start3A_47 = tpu.memref_slice %arg3[%dma_start3A_45, %dma_start3A_46] : memref<10000x128xf32, #tpu.memory_space<hbm>> -> memref<10000x128xf32, #tpu.memory_space<hbm>>
      tpu.enqueue_indirect_dma source(%dma_start3A_47 : memref<10000x128xf32, #tpu.memory_space<hbm>>) target(%arg9 : memref<125x128xf32, #tpu.memory_space<vmem>>) offsets(%dma_start3A_44 : memref<125xi32, #tpu.memory_space<vmem>>) semaphore(%arg12 : memref<!tpu.dma_semaphore, #tpu.memory_space<semaphore_mem>>)
      %dma_wait3A = arith.constant 0 : i32
      %dma_wait3A_48 = tpu.memref_slice %arg6[%mul3A_37, %dma_wait3A] : memref<40x125xi32, #tpu.memory_space<vmem>> -> memref<1x125xi32, #tpu.memory_space<vmem>>
      %dma_wait3A_49 = tpu.memref_squeeze %dma_wait3A_48 : memref<1x125xi32, #tpu.memory_space<vmem>> -> memref<125xi32, #tpu.memory_space<vmem>>
      %dma_wait3A_50 = arith.constant 0 : i32
      %dma_wait3A_51 = arith.constant 0 : i32
      %dma_wait3A_52 = tpu.memref_slice %arg3[%dma_wait3A_50, %dma_wait3A_51] : memref<10000x128xf32, #tpu.memory_space<hbm>> -> memref<10000x128xf32, #tpu.memory_space<hbm>>
      tpu.wait_indirect_dma semaphore(%arg11 : memref<!tpu.dma_semaphore, #tpu.memory_space<semaphore_mem>>) src(%dma_wait3A_52 : memref<10000x128xf32, #tpu.memory_space<hbm>>) dst(%arg8 : memref<125x128xf32, #tpu.memory_space<vmem>>)
      "tpu.region"() ({
        %run_scoped3A_61 = tpu.sem_alloc : memref<!tpu.dma_semaphore, #tpu.memory_space<semaphore_mem>>
        %dma_start3A_62 = arith.constant 0 : i32
        %dma_start3A_63 = tpu.memref_slice %arg7[%mul3A_37, %dma_start3A_62] : memref<40x125xi32, #tpu.memory_space<vmem>> -> memref<1x125xi32, #tpu.memory_space<vmem>>
        %dma_start3A_64 = tpu.memref_squeeze %dma_start3A_63 : memref<1x125xi32, #tpu.memory_space<vmem>> -> memref<125xi32, #tpu.memory_space<vmem>>
        %dma_start3A_65 = arith.constant 0 : i32
        %dma_start3A_66 = arith.constant 0 : i32
        %dma_start3A_67 = tpu.memref_slice %arg10[%dma_start3A_65, %dma_start3A_66] : memref<10112x128xf32, #tpu.memory_space<vmem_shared>> -> memref<10112x128xf32, #tpu.memory_space<vmem_shared>>
        tpu.enqueue_indirect_dma source(%arg8 : memref<125x128xf32, #tpu.memory_space<vmem>>) target(%dma_start3A_67 : memref<10112x128xf32, #tpu.memory_space<vmem_shared>>) offsets(%dma_start3A_64 : memref<125xi32, #tpu.memory_space<vmem>>) semaphore(%run_scoped3A_61 : memref<!tpu.dma_semaphore, #tpu.memory_space<semaphore_mem>>) {add = true}
        %dma_wait3A_68 = arith.constant 0 : i32
        %dma_wait3A_69 = tpu.memref_slice %arg7[%mul3A_37, %dma_wait3A_68] : memref<40x125xi32, #tpu.memory_space<vmem>> -> memref<1x125xi32, #tpu.memory_space<vmem>>
        %dma_wait3A_70 = tpu.memref_squeeze %dma_wait3A_69 : memref<1x125xi32, #tpu.memory_space<vmem>> -> memref<125xi32, #tpu.memory_space<vmem>>
        %dma_wait3A_71 = arith.constant 0 : i32
        %dma_wait3A_72 = arith.constant 0 : i32
        %dma_wait3A_73 = tpu.memref_slice %arg10[%dma_wait3A_71, %dma_wait3A_72] : memref<10112x128xf32, #tpu.memory_space<vmem_shared>> -> memref<10112x128xf32, #tpu.memory_space<vmem_shared>>
        tpu.wait_indirect_dma semaphore(%run_scoped3A_61 : memref<!tpu.dma_semaphore, #tpu.memory_space<semaphore_mem>>) src(%arg8 : memref<125x128xf32, #tpu.memory_space<vmem>>) dst(%dma_wait3A_73 : memref<10112x128xf32, #tpu.memory_space<vmem_shared>>)
        tpu.yield
      }) : () -> ()
      %lt3A = arith.constant 19 : i32
      %lt3A_53 = arith.cmpi slt, %scan3A_35, %lt3A : i32
      %convert_element_type3A = arith.extui %lt3A_53 : i1 to i32
      %cond3A = arith.constant 0 : i32
      %cond3A_54 = arith.cmpi ne, %convert_element_type3A, %cond3A : i32
      scf.if %cond3A_54 {
        %add3A_61 = arith.constant 2 : i32
        %add3A_62 = arith.addi %mul3A_37, %add3A_61 : i32
        %dma_start3A_63 = arith.constant 0 : i32
        %dma_start3A_64 = tpu.memref_slice %arg6[%add3A_62, %dma_start3A_63] : memref<40x125xi32, #tpu.memory_space<vmem>> -> memref<1x125xi32, #tpu.memory_space<vmem>>
        %dma_start3A_65 = tpu.memref_squeeze %dma_start3A_64 : memref<1x125xi32, #tpu.memory_space<vmem>> -> memref<125xi32, #tpu.memory_space<vmem>>
        %dma_start3A_66 = arith.constant 0 : i32
        %dma_start3A_67 = arith.constant 0 : i32
        %dma_start3A_68 = tpu.memref_slice %arg3[%dma_start3A_66, %dma_start3A_67] : memref<10000x128xf32, #tpu.memory_space<hbm>> -> memref<10000x128xf32, #tpu.memory_space<hbm>>
        tpu.enqueue_indirect_dma source(%dma_start3A_68 : memref<10000x128xf32, #tpu.memory_space<hbm>>) target(%arg8 : memref<125x128xf32, #tpu.memory_space<vmem>>) offsets(%dma_start3A_65 : memref<125xi32, #tpu.memory_space<vmem>>) semaphore(%arg11 : memref<!tpu.dma_semaphore, #tpu.memory_space<semaphore_mem>>)
      } else {
      }
      %dma_wait3A_55 = arith.constant 0 : i32
      %dma_wait3A_56 = tpu.memref_slice %arg6[%add3A_41, %dma_wait3A_55] : memref<40x125xi32, #tpu.memory_space<vmem>> -> memref<1x125xi32, #tpu.memory_space<vmem>>
      %dma_wait3A_57 = tpu.memref_squeeze %dma_wait3A_56 : memref<1x125xi32, #tpu.memory_space<vmem>> -> memref<125xi32, #tpu.memory_space<vmem>>
      %dma_wait3A_58 = arith.constant 0 : i32
      %dma_wait3A_59 = arith.constant 0 : i32
      %dma_wait3A_60 = tpu.memref_slice %arg3[%dma_wait3A_58, %dma_wait3A_59] : memref<10000x128xf32, #tpu.memory_space<hbm>> -> memref<10000x128xf32, #tpu.memory_space<hbm>>
      tpu.wait_indirect_dma semaphore(%arg12 : memref<!tpu.dma_semaphore, #tpu.memory_space<semaphore_mem>>) src(%dma_wait3A_60 : memref<10000x128xf32, #tpu.memory_space<hbm>>) dst(%arg9 : memref<125x128xf32, #tpu.memory_space<vmem>>)
      "tpu.region"() ({
        %run_scoped3A_61 = tpu.sem_alloc : memref<!tpu.dma_semaphore, #tpu.memory_space<semaphore_mem>>
        %dma_start3A_62 = arith.constant 0 : i32
        %dma_start3A_63 = tpu.memref_slice %arg7[%add3A_41, %dma_start3A_62] : memref<40x125xi32, #tpu.memory_space<vmem>> -> memref<1x125xi32, #tpu.memory_space<vmem>>
        %dma_start3A_64 = tpu.memref_squeeze %dma_start3A_63 : memref<1x125xi32, #tpu.memory_space<vmem>> -> memref<125xi32, #tpu.memory_space<vmem>>
        %dma_start3A_65 = arith.constant 0 : i32
        %dma_start3A_66 = arith.constant 0 : i32
        %dma_start3A_67 = tpu.memref_slice %arg10[%dma_start3A_65, %dma_start3A_66] : memref<10112x128xf32, #tpu.memory_space<vmem_shared>> -> memref<10112x128xf32, #tpu.memory_space<vmem_shared>>
        tpu.enqueue_indirect_dma source(%arg9 : memref<125x128xf32, #tpu.memory_space<vmem>>) target(%dma_start3A_67 : memref<10112x128xf32, #tpu.memory_space<vmem_shared>>) offsets(%dma_start3A_64 : memref<125xi32, #tpu.memory_space<vmem>>) semaphore(%run_scoped3A_61 : memref<!tpu.dma_semaphore, #tpu.memory_space<semaphore_mem>>) {add = true}
        %dma_wait3A_68 = arith.constant 0 : i32
        %dma_wait3A_69 = tpu.memref_slice %arg7[%add3A_41, %dma_wait3A_68] : memref<40x125xi32, #tpu.memory_space<vmem>> -> memref<1x125xi32, #tpu.memory_space<vmem>>
        %dma_wait3A_70 = tpu.memref_squeeze %dma_wait3A_69 : memref<1x125xi32, #tpu.memory_space<vmem>> -> memref<125xi32, #tpu.memory_space<vmem>>
        %dma_wait3A_71 = arith.constant 0 : i32
        %dma_wait3A_72 = arith.constant 0 : i32
        %dma_wait3A_73 = tpu.memref_slice %arg10[%dma_wait3A_71, %dma_wait3A_72] : memref<10112x128xf32, #tpu.memory_space<vmem_shared>> -> memref<10112x128xf32, #tpu.memory_space<vmem_shared>>
        tpu.wait_indirect_dma semaphore(%run_scoped3A_61 : memref<!tpu.dma_semaphore, #tpu.memory_space<semaphore_mem>>) src(%arg9 : memref<125x128xf32, #tpu.memory_space<vmem>>) dst(%dma_wait3A_73 : memref<10112x128xf32, #tpu.memory_space<vmem_shared>>)
        tpu.yield
      }) : () -> ()
    }
    %scan3A_14 = arith.constant 20 : i32
    %run_scoped3A_15 = arith.constant 0 : i32
    "tpu.region"() ({
      %run_scoped3A_35 = tpu.sem_alloc : memref<!tpu.dma_semaphore, #tpu.memory_space<semaphore_mem>>
      %dma_start3A_36 = arith.constant 40 : i32
      %dma_start3A_37 = arith.constant 0 : i32
      %dma_start3A_38 = tpu.memref_slice %arg2[%run_scoped3A_15, %add3A, %dma_start3A_36, %dma_start3A_37] : memref<2x32x80x125xi32, #tpu.memory_space<hbm>> -> memref<1x1x40x125xi32, #tpu.memory_space<hbm>>
      %dma_start3A_39 = tpu.memref_squeeze %dma_start3A_38 : memref<1x1x40x125xi32, #tpu.memory_space<hbm>> -> memref<40x125xi32, #tpu.memory_space<hbm>>
      %dma_start3A_40 = arith.constant 40 : i32
      %dma_start3A_41 = arith.constant 0 : i32
      %dma_start3A_42 = tpu.memref_slice %arg2[%run_scoped3A_15, %add3A, %dma_start3A_40, %dma_start3A_41] : memref<2x32x80x125xi32, #tpu.memory_space<hbm>> -> memref<1x1x40x125xi32, #tpu.memory_space<hbm>>
      %dma_start3A_43 = tpu.memref_squeeze %dma_start3A_42 : memref<1x1x40x125xi32, #tpu.memory_space<hbm>> -> memref<40x125xi32, #tpu.memory_space<hbm>>
      tpu.enqueue_dma source(%dma_start3A_43 : memref<40x125xi32, #tpu.memory_space<hbm>>) target(%arg6 : memref<40x125xi32, #tpu.memory_space<vmem>>) target_semaphore(%run_scoped3A_35 : memref<!tpu.dma_semaphore, #tpu.memory_space<semaphore_mem>>)
      %dma_wait3A = arith.constant 40 : i32
      %dma_wait3A_44 = arith.constant 0 : i32
      %dma_wait3A_45 = tpu.memref_slice %arg2[%run_scoped3A_15, %add3A, %dma_wait3A, %dma_wait3A_44] : memref<2x32x80x125xi32, #tpu.memory_space<hbm>> -> memref<1x1x40x125xi32, #tpu.memory_space<hbm>>
      %dma_wait3A_46 = tpu.memref_squeeze %dma_wait3A_45 : memref<1x1x40x125xi32, #tpu.memory_space<hbm>> -> memref<40x125xi32, #tpu.memory_space<hbm>>
      %dma_wait3A_47 = arith.constant 40 : i32
      %dma_wait3A_48 = arith.constant 0 : i32
      %dma_wait3A_49 = tpu.memref_slice %arg2[%run_scoped3A_15, %add3A, %dma_wait3A_47, %dma_wait3A_48] : memref<2x32x80x125xi32, #tpu.memory_space<hbm>> -> memref<1x1x40x125xi32, #tpu.memory_space<hbm>>
      %dma_wait3A_50 = tpu.memref_squeeze %dma_wait3A_49 : memref<1x1x40x125xi32, #tpu.memory_space<hbm>> -> memref<40x125xi32, #tpu.memory_space<hbm>>
      tpu.wait_dma2 semaphore(%run_scoped3A_35 : memref<!tpu.dma_semaphore, #tpu.memory_space<semaphore_mem>>) src(%dma_wait3A_50 : memref<40x125xi32, #tpu.memory_space<hbm>>) dst(%arg6 : memref<40x125xi32, #tpu.memory_space<vmem>>)
      tpu.yield
    }) : () -> ()
    %run_scoped3A_16 = arith.constant 1 : i32
    "tpu.region"() ({
      %run_scoped3A_35 = tpu.sem_alloc : memref<!tpu.dma_semaphore, #tpu.memory_space<semaphore_mem>>
      %dma_start3A_36 = arith.constant 40 : i32
      %dma_start3A_37 = arith.constant 0 : i32
      %dma_start3A_38 = tpu.memref_slice %arg2[%run_scoped3A_16, %add3A, %dma_start3A_36, %dma_start3A_37] : memref<2x32x80x125xi32, #tpu.memory_space<hbm>> -> memref<1x1x40x125xi32, #tpu.memory_space<hbm>>
      %dma_start3A_39 = tpu.memref_squeeze %dma_start3A_38 : memref<1x1x40x125xi32, #tpu.memory_space<hbm>> -> memref<40x125xi32, #tpu.memory_space<hbm>>
      %dma_start3A_40 = arith.constant 40 : i32
      %dma_start3A_41 = arith.constant 0 : i32
      %dma_start3A_42 = tpu.memref_slice %arg2[%run_scoped3A_16, %add3A, %dma_start3A_40, %dma_start3A_41] : memref<2x32x80x125xi32, #tpu.memory_space<hbm>> -> memref<1x1x40x125xi32, #tpu.memory_space<hbm>>
      %dma_start3A_43 = tpu.memref_squeeze %dma_start3A_42 : memref<1x1x40x125xi32, #tpu.memory_space<hbm>> -> memref<40x125xi32, #tpu.memory_space<hbm>>
      tpu.enqueue_dma source(%dma_start3A_43 : memref<40x125xi32, #tpu.memory_space<hbm>>) target(%arg7 : memref<40x125xi32, #tpu.memory_space<vmem>>) target_semaphore(%run_scoped3A_35 : memref<!tpu.dma_semaphore, #tpu.memory_space<semaphore_mem>>)
      %dma_wait3A = arith.constant 40 : i32
      %dma_wait3A_44 = arith.constant 0 : i32
      %dma_wait3A_45 = tpu.memref_slice %arg2[%run_scoped3A_16, %add3A, %dma_wait3A, %dma_wait3A_44] : memref<2x32x80x125xi32, #tpu.memory_space<hbm>> -> memref<1x1x40x125xi32, #tpu.memory_space<hbm>>
      %dma_wait3A_46 = tpu.memref_squeeze %dma_wait3A_45 : memref<1x1x40x125xi32, #tpu.memory_space<hbm>> -> memref<40x125xi32, #tpu.memory_space<hbm>>
      %dma_wait3A_47 = arith.constant 40 : i32
      %dma_wait3A_48 = arith.constant 0 : i32
      %dma_wait3A_49 = tpu.memref_slice %arg2[%run_scoped3A_16, %add3A, %dma_wait3A_47, %dma_wait3A_48] : memref<2x32x80x125xi32, #tpu.memory_space<hbm>> -> memref<1x1x40x125xi32, #tpu.memory_space<hbm>>
      %dma_wait3A_50 = tpu.memref_squeeze %dma_wait3A_49 : memref<1x1x40x125xi32, #tpu.memory_space<hbm>> -> memref<40x125xi32, #tpu.memory_space<hbm>>
      tpu.wait_dma2 semaphore(%run_scoped3A_35 : memref<!tpu.dma_semaphore, #tpu.memory_space<semaphore_mem>>) src(%dma_wait3A_50 : memref<40x125xi32, #tpu.memory_space<hbm>>) dst(%arg7 : memref<40x125xi32, #tpu.memory_space<vmem>>)
      tpu.yield
    }) : () -> ()
    %dma_start3A_17 = arith.constant 0 : i32
    %dma_start3A_18 = arith.constant 0 : i32
    %dma_start3A_19 = tpu.memref_slice %arg6[%dma_start3A_17, %dma_start3A_18] : memref<40x125xi32, #tpu.memory_space<vmem>> -> memref<1x125xi32, #tpu.memory_space<vmem>>
    %dma_start3A_20 = tpu.memref_squeeze %dma_start3A_19 : memref<1x125xi32, #tpu.memory_space<vmem>> -> memref<125xi32, #tpu.memory_space<vmem>>
    %dma_start3A_21 = arith.constant 0 : i32
    %dma_start3A_22 = arith.constant 0 : i32
    %dma_start3A_23 = tpu.memref_slice %arg3[%dma_start3A_21, %dma_start3A_22] : memref<10000x128xf32, #tpu.memory_space<hbm>> -> memref<10000x128xf32, #tpu.memory_space<hbm>>
    tpu.enqueue_indirect_dma source(%dma_start3A_23 : memref<10000x128xf32, #tpu.memory_space<hbm>>) target(%arg8 : memref<125x128xf32, #tpu.memory_space<vmem>>) offsets(%dma_start3A_20 : memref<125xi32, #tpu.memory_space<vmem>>) semaphore(%arg11 : memref<!tpu.dma_semaphore, #tpu.memory_space<semaphore_mem>>)
    %scan3A_24 = arith.constant 0 : i32
    %scan3A_25 = arith.constant 0 : i32
    %scan3A_26 = arith.constant 20 : i32
    %scan3A_27 = arith.addi %scan3A_25, %scan3A_26 : i32
    %scan3A_28 = arith.constant 1 : i32
    scf.for %scan3A_35 = %scan3A_25 to %scan3A_27 step %scan3A_28  : i32 {
      %mul3A_36 = arith.constant 2 : i32
      %mul3A_37 = arith.muli %mul3A_36, %scan3A_35 : i32
      %mul3A_38 = arith.constant 2 : i32
      %mul3A_39 = arith.muli %mul3A_38, %scan3A_35 : i32
      %add3A_40 = arith.constant 1 : i32
      %add3A_41 = arith.addi %mul3A_39, %add3A_40 : i32
      %dma_start3A_42 = arith.constant 0 : i32
      %dma_start3A_43 = tpu.memref_slice %arg6[%add3A_41, %dma_start3A_42] : memref<40x125xi32, #tpu.memory_space<vmem>> -> memref<1x125xi32, #tpu.memory_space<vmem>>
      %dma_start3A_44 = tpu.memref_squeeze %dma_start3A_43 : memref<1x125xi32, #tpu.memory_space<vmem>> -> memref<125xi32, #tpu.memory_space<vmem>>
      %dma_start3A_45 = arith.constant 0 : i32
      %dma_start3A_46 = arith.constant 0 : i32
      %dma_start3A_47 = tpu.memref_slice %arg3[%dma_start3A_45, %dma_start3A_46] : memref<10000x128xf32, #tpu.memory_space<hbm>> -> memref<10000x128xf32, #tpu.memory_space<hbm>>
      tpu.enqueue_indirect_dma source(%dma_start3A_47 : memref<10000x128xf32, #tpu.memory_space<hbm>>) target(%arg9 : memref<125x128xf32, #tpu.memory_space<vmem>>) offsets(%dma_start3A_44 : memref<125xi32, #tpu.memory_space<vmem>>) semaphore(%arg12 : memref<!tpu.dma_semaphore, #tpu.memory_space<semaphore_mem>>)
      %dma_wait3A = arith.constant 0 : i32
      %dma_wait3A_48 = tpu.memref_slice %arg6[%mul3A_37, %dma_wait3A] : memref<40x125xi32, #tpu.memory_space<vmem>> -> memref<1x125xi32, #tpu.memory_space<vmem>>
      %dma_wait3A_49 = tpu.memref_squeeze %dma_wait3A_48 : memref<1x125xi32, #tpu.memory_space<vmem>> -> memref<125xi32, #tpu.memory_space<vmem>>
      %dma_wait3A_50 = arith.constant 0 : i32
      %dma_wait3A_51 = arith.constant 0 : i32
      %dma_wait3A_52 = tpu.memref_slice %arg3[%dma_wait3A_50, %dma_wait3A_51] : memref<10000x128xf32, #tpu.memory_space<hbm>> -> memref<10000x128xf32, #tpu.memory_space<hbm>>
      tpu.wait_indirect_dma semaphore(%arg11 : memref<!tpu.dma_semaphore, #tpu.memory_space<semaphore_mem>>) src(%dma_wait3A_52 : memref<10000x128xf32, #tpu.memory_space<hbm>>) dst(%arg8 : memref<125x128xf32, #tpu.memory_space<vmem>>)
      "tpu.region"() ({
        %run_scoped3A_61 = tpu.sem_alloc : memref<!tpu.dma_semaphore, #tpu.memory_space<semaphore_mem>>
        %dma_start3A_62 = arith.constant 0 : i32
        %dma_start3A_63 = tpu.memref_slice %arg7[%mul3A_37, %dma_start3A_62] : memref<40x125xi32, #tpu.memory_space<vmem>> -> memref<1x125xi32, #tpu.memory_space<vmem>>
        %dma_start3A_64 = tpu.memref_squeeze %dma_start3A_63 : memref<1x125xi32, #tpu.memory_space<vmem>> -> memref<125xi32, #tpu.memory_space<vmem>>
        %dma_start3A_65 = arith.constant 0 : i32
        %dma_start3A_66 = arith.constant 0 : i32
        %dma_start3A_67 = tpu.memref_slice %arg10[%dma_start3A_65, %dma_start3A_66] : memref<10112x128xf32, #tpu.memory_space<vmem_shared>> -> memref<10112x128xf32, #tpu.memory_space<vmem_shared>>
        tpu.enqueue_indirect_dma source(%arg8 : memref<125x128xf32, #tpu.memory_space<vmem>>) target(%dma_start3A_67 : memref<10112x128xf32, #tpu.memory_space<vmem_shared>>) offsets(%dma_start3A_64 : memref<125xi32, #tpu.memory_space<vmem>>) semaphore(%run_scoped3A_61 : memref<!tpu.dma_semaphore, #tpu.memory_space<semaphore_mem>>) {add = true}
        %dma_wait3A_68 = arith.constant 0 : i32
        %dma_wait3A_69 = tpu.memref_slice %arg7[%mul3A_37, %dma_wait3A_68] : memref<40x125xi32, #tpu.memory_space<vmem>> -> memref<1x125xi32, #tpu.memory_space<vmem>>
        %dma_wait3A_70 = tpu.memref_squeeze %dma_wait3A_69 : memref<1x125xi32, #tpu.memory_space<vmem>> -> memref<125xi32, #tpu.memory_space<vmem>>
        %dma_wait3A_71 = arith.constant 0 : i32
        %dma_wait3A_72 = arith.constant 0 : i32
        %dma_wait3A_73 = tpu.memref_slice %arg10[%dma_wait3A_71, %dma_wait3A_72] : memref<10112x128xf32, #tpu.memory_space<vmem_shared>> -> memref<10112x128xf32, #tpu.memory_space<vmem_shared>>
        tpu.wait_indirect_dma semaphore(%run_scoped3A_61 : memref<!tpu.dma_semaphore, #tpu.memory_space<semaphore_mem>>) src(%arg8 : memref<125x128xf32, #tpu.memory_space<vmem>>) dst(%dma_wait3A_73 : memref<10112x128xf32, #tpu.memory_space<vmem_shared>>)
        tpu.yield
      }) : () -> ()
      %lt3A = arith.constant 19 : i32
      %lt3A_53 = arith.cmpi slt, %scan3A_35, %lt3A : i32
      %convert_element_type3A = arith.extui %lt3A_53 : i1 to i32
      %cond3A = arith.constant 0 : i32
      %cond3A_54 = arith.cmpi ne, %convert_element_type3A, %cond3A : i32
      scf.if %cond3A_54 {
        %add3A_61 = arith.constant 2 : i32
        %add3A_62 = arith.addi %mul3A_37, %add3A_61 : i32
        %dma_start3A_63 = arith.constant 0 : i32
        %dma_start3A_64 = tpu.memref_slice %arg6[%add3A_62, %dma_start3A_63] : memref<40x125xi32, #tpu.memory_space<vmem>> -> memref<1x125xi32, #tpu.memory_space<vmem>>
        %dma_start3A_65 = tpu.memref_squeeze %dma_start3A_64 : memref<1x125xi32, #tpu.memory_space<vmem>> -> memref<125xi32, #tpu.memory_space<vmem>>
        %dma_start3A_66 = arith.constant 0 : i32
        %dma_start3A_67 = arith.constant 0 : i32
        %dma_start3A_68 = tpu.memref_slice %arg3[%dma_start3A_66, %dma_start3A_67] : memref<10000x128xf32, #tpu.memory_space<hbm>> -> memref<10000x128xf32, #tpu.memory_space<hbm>>
        tpu.enqueue_indirect_dma source(%dma_start3A_68 : memref<10000x128xf32, #tpu.memory_space<hbm>>) target(%arg8 : memref<125x128xf32, #tpu.memory_space<vmem>>) offsets(%dma_start3A_65 : memref<125xi32, #tpu.memory_space<vmem>>) semaphore(%arg11 : memref<!tpu.dma_semaphore, #tpu.memory_space<semaphore_mem>>)
      } else {
      }
      %dma_wait3A_55 = arith.constant 0 : i32
      %dma_wait3A_56 = tpu.memref_slice %arg6[%add3A_41, %dma_wait3A_55] : memref<40x125xi32, #tpu.memory_space<vmem>> -> memref<1x125xi32, #tpu.memory_space<vmem>>
      %dma_wait3A_57 = tpu.memref_squeeze %dma_wait3A_56 : memref<1x125xi32, #tpu.memory_space<vmem>> -> memref<125xi32, #tpu.memory_space<vmem>>
      %dma_wait3A_58 = arith.constant 0 : i32
      %dma_wait3A_59 = arith.constant 0 : i32
      %dma_wait3A_60 = tpu.memref_slice %arg3[%dma_wait3A_58, %dma_wait3A_59] : memref<10000x128xf32, #tpu.memory_space<hbm>> -> memref<10000x128xf32, #tpu.memory_space<hbm>>
      tpu.wait_indirect_dma semaphore(%arg12 : memref<!tpu.dma_semaphore, #tpu.memory_space<semaphore_mem>>) src(%dma_wait3A_60 : memref<10000x128xf32, #tpu.memory_space<hbm>>) dst(%arg9 : memref<125x128xf32, #tpu.memory_space<vmem>>)
      "tpu.region"() ({
        %run_scoped3A_61 = tpu.sem_alloc : memref<!tpu.dma_semaphore, #tpu.memory_space<semaphore_mem>>
        %dma_start3A_62 = arith.constant 0 : i32
        %dma_start3A_63 = tpu.memref_slice %arg7[%add3A_41, %dma_start3A_62] : memref<40x125xi32, #tpu.memory_space<vmem>> -> memref<1x125xi32, #tpu.memory_space<vmem>>
        %dma_start3A_64 = tpu.memref_squeeze %dma_start3A_63 : memref<1x125xi32, #tpu.memory_space<vmem>> -> memref<125xi32, #tpu.memory_space<vmem>>
        %dma_start3A_65 = arith.constant 0 : i32
        %dma_start3A_66 = arith.constant 0 : i32
        %dma_start3A_67 = tpu.memref_slice %arg10[%dma_start3A_65, %dma_start3A_66] : memref<10112x128xf32, #tpu.memory_space<vmem_shared>> -> memref<10112x128xf32, #tpu.memory_space<vmem_shared>>
        tpu.enqueue_indirect_dma source(%arg9 : memref<125x128xf32, #tpu.memory_space<vmem>>) target(%dma_start3A_67 : memref<10112x128xf32, #tpu.memory_space<vmem_shared>>) offsets(%dma_start3A_64 : memref<125xi32, #tpu.memory_space<vmem>>) semaphore(%run_scoped3A_61 : memref<!tpu.dma_semaphore, #tpu.memory_space<semaphore_mem>>) {add = true}
        %dma_wait3A_68 = arith.constant 0 : i32
        %dma_wait3A_69 = tpu.memref_slice %arg7[%add3A_41, %dma_wait3A_68] : memref<40x125xi32, #tpu.memory_space<vmem>> -> memref<1x125xi32, #tpu.memory_space<vmem>>
        %dma_wait3A_70 = tpu.memref_squeeze %dma_wait3A_69 : memref<1x125xi32, #tpu.memory_space<vmem>> -> memref<125xi32, #tpu.memory_space<vmem>>
        %dma_wait3A_71 = arith.constant 0 : i32
        %dma_wait3A_72 = arith.constant 0 : i32
        %dma_wait3A_73 = tpu.memref_slice %arg10[%dma_wait3A_71, %dma_wait3A_72] : memref<10112x128xf32, #tpu.memory_space<vmem_shared>> -> memref<10112x128xf32, #tpu.memory_space<vmem_shared>>
        tpu.wait_indirect_dma semaphore(%run_scoped3A_61 : memref<!tpu.dma_semaphore, #tpu.memory_space<semaphore_mem>>) src(%arg9 : memref<125x128xf32, #tpu.memory_space<vmem>>) dst(%dma_wait3A_73 : memref<10112x128xf32, #tpu.memory_space<vmem_shared>>)
        tpu.yield
      }) : () -> ()
    }
    %scan3A_29 = arith.constant 20 : i32
    %barrier3A_30 = arith.constant 0 : index
    tpu.barrier barrier_id(%barrier3A_30)
    %mul3A_31 = arith.constant 632 : i32
    %mul3A_32 = arith.muli %arg1, %mul3A_31 : i32
    %mul3A_33 = arith.constant 632 : i32
    %mul3A_34 = arith.muli %arg1, %mul3A_33 : i32
    "tpu.region"() ({
      %run_scoped3A_35 = tpu.sem_alloc : memref<!tpu.dma_semaphore, #tpu.memory_space<semaphore_mem>>
      %dma_start3A_36 = arith.constant 0 : i32
      %dma_start3A_37 = tpu.memref_slice %arg5[%arg0, %mul3A_34, %dma_start3A_36] : memref<2x10112x128xf32, #tpu.memory_space<hbm>> -> memref<1x632x128xf32, #tpu.memory_space<hbm>>
      %dma_start3A_38 = tpu.memref_squeeze %dma_start3A_37 : memref<1x632x128xf32, #tpu.memory_space<hbm>> -> memref<632x128xf32, #tpu.memory_space<hbm>>
      %dma_start3A_39 = arith.constant 0 : i32
      %dma_start3A_40 = tpu.memref_slice %arg10[%mul3A_32, %dma_start3A_39] : memref<10112x128xf32, #tpu.memory_space<vmem_shared>> -> memref<632x128xf32, #tpu.memory_space<vmem_shared>>
      tpu.enqueue_dma source(%dma_start3A_40 : memref<632x128xf32, #tpu.memory_space<vmem_shared>>) target(%dma_start3A_38 : memref<632x128xf32, #tpu.memory_space<hbm>>) target_semaphore(%run_scoped3A_35 : memref<!tpu.dma_semaphore, #tpu.memory_space<semaphore_mem>>)
      %dma_wait3A = arith.constant 0 : i32
      %dma_wait3A_41 = tpu.memref_slice %arg5[%arg0, %mul3A_34, %dma_wait3A] : memref<2x10112x128xf32, #tpu.memory_space<hbm>> -> memref<1x632x128xf32, #tpu.memory_space<hbm>>
      %dma_wait3A_42 = tpu.memref_squeeze %dma_wait3A_41 : memref<1x632x128xf32, #tpu.memory_space<hbm>> -> memref<632x128xf32, #tpu.memory_space<hbm>>
      %dma_wait3A_43 = arith.constant 0 : i32
      %dma_wait3A_44 = tpu.memref_slice %arg10[%mul3A_32, %dma_wait3A_43] : memref<10112x128xf32, #tpu.memory_space<vmem_shared>> -> memref<632x128xf32, #tpu.memory_space<vmem_shared>>
      tpu.wait_dma2 semaphore(%run_scoped3A_35 : memref<!tpu.dma_semaphore, #tpu.memory_space<semaphore_mem>>) src(%dma_wait3A_44 : memref<632x128xf32, #tpu.memory_space<vmem_shared>>) dst(%dma_wait3A_42 : memref<632x128xf32, #tpu.memory_space<hbm>>)
      tpu.yield
    }) : () -> ()
    return
  }
}

module attributes {stable_mosaic.version = 14 : i64} {
  func.func @_tc_mm_bn(%arg0: memref<2x10112x128xf32, #tpu.memory_space<vmem>>, %arg1: memref<128x128xf32, #tpu.memory_space<vmem>>, %arg2: memref<1x128xf32, #tpu.memory_space<vmem>>, %arg3: memref<1x128xf32, #tpu.memory_space<vmem>>, %arg4: memref<10000x128xf32, #tpu.memory_space<vmem>>) attributes {dimension_semantics = [], scalar_prefetch = 0 : i64, scratch_operands = 0 : i64, tpu.core_type = #tpu.core_type<tc>} {
    %get3A = arith.constant 0 : index
    %get3A_0 = arith.constant 0 : index
    %get3A_1 = arith.constant 0 : index
    %get3A_2 = vector.load %arg0[%get3A, %get3A_0, %get3A_1] : memref<2x10112x128xf32, #tpu.memory_space<vmem>>, vector<1x10000x128xf32>
    %get3A_3 = vector.shape_cast %get3A_2 : vector<1x10000x128xf32> to vector<10000x128xf32>
    %get3A_4 = arith.constant 1 : index
    %get3A_5 = arith.constant 0 : index
    %get3A_6 = arith.constant 0 : index
    %get3A_7 = vector.load %arg0[%get3A_4, %get3A_5, %get3A_6] : memref<2x10112x128xf32, #tpu.memory_space<vmem>>, vector<1x10000x128xf32>
    %get3A_8 = vector.shape_cast %get3A_7 : vector<1x10000x128xf32> to vector<10000x128xf32>
    %add3A = arith.addf %get3A_3, %get3A_8 : vector<10000x128xf32>
    %get3A_9 = arith.constant 0 : index
    %get3A_10 = arith.constant 0 : index
    %get3A_11 = vector.load %arg1[%get3A_9, %get3A_10] : memref<128x128xf32, #tpu.memory_space<vmem>>, vector<128x128xf32>
    %dot_general3A = arith.constant dense<0.000000e+00> : vector<10000x128xf32>
    %dot_general3A_12 = tpu.matmul %add3A, %get3A_11, %dot_general3A {dimension_numbers = #tpu.dot_dimension_numbers<[1], [1], [0], [0], [0, 0, 1, 0], [], []>, transpose_lhs_hint = false} : vector<10000x128xf32>, vector<128x128xf32>, vector<10000x128xf32> -> vector<10000x128xf32>
    %reduce_sum3A = arith.constant dense<0.000000e+00> : vector<128xf32>
    %reduce_sum3A_13 = vector.multi_reduction <add>, %dot_general3A_12, %reduce_sum3A [0] : vector<10000x128xf32> to vector<128xf32>
    %broadcast_in_dim3A = vector.shape_cast %reduce_sum3A_13 : vector<128xf32> to vector<1x128xf32>
    %div3A = arith.constant 1.000000e+04 : f32
    %div3A_14 = vector.broadcast %div3A : f32 to vector<1x128xf32>
    %div3A_15 = arith.divf %broadcast_in_dim3A, %div3A_14 : vector<1x128xf32>
    %sub3A = vector.broadcast %div3A_15 : vector<1x128xf32> to vector<10000x128xf32>
    %sub3A_16 = arith.subf %dot_general3A_12, %sub3A : vector<10000x128xf32>
    %mul3A = arith.mulf %sub3A_16, %sub3A_16 : vector<10000x128xf32>
    %reduce_sum3A_17 = arith.constant dense<0.000000e+00> : vector<128xf32>
    %reduce_sum3A_18 = vector.multi_reduction <add>, %mul3A, %reduce_sum3A_17 [0] : vector<10000x128xf32> to vector<128xf32>
    %broadcast_in_dim3A_19 = vector.shape_cast %reduce_sum3A_18 : vector<128xf32> to vector<1x128xf32>
    %div3A_20 = arith.constant 1.000000e+04 : f32
    %div3A_21 = vector.broadcast %div3A_20 : f32 to vector<1x128xf32>
    %div3A_22 = arith.divf %broadcast_in_dim3A_19, %div3A_21 : vector<1x128xf32>
    %add3A_23 = arith.constant 9.99999974E-6 : f32
    %add3A_24 = vector.broadcast %add3A_23 : f32 to vector<1x128xf32>
    %add3A_25 = arith.addf %div3A_22, %add3A_24 : vector<1x128xf32>
    %rsqrt3A = math.rsqrt %add3A_25 : vector<1x128xf32>
    %mul3A_26 = vector.broadcast %rsqrt3A : vector<1x128xf32> to vector<10000x128xf32>
    %mul3A_27 = arith.mulf %sub3A_16, %mul3A_26 : vector<10000x128xf32>
    %get3A_28 = arith.constant 0 : index
    %get3A_29 = arith.constant 0 : index
    %get3A_30 = vector.load %arg2[%get3A_28, %get3A_29] : memref<1x128xf32, #tpu.memory_space<vmem>>, vector<1x128xf32>
    %mul3A_31 = vector.broadcast %get3A_30 : vector<1x128xf32> to vector<10000x128xf32>
    %mul3A_32 = arith.mulf %mul3A_27, %mul3A_31 : vector<10000x128xf32>
    %get3A_33 = arith.constant 0 : index
    %get3A_34 = arith.constant 0 : index
    %get3A_35 = vector.load %arg3[%get3A_33, %get3A_34] : memref<1x128xf32, #tpu.memory_space<vmem>>, vector<1x128xf32>
    %add3A_36 = vector.broadcast %get3A_35 : vector<1x128xf32> to vector<10000x128xf32>
    %add3A_37 = arith.addf %mul3A_32, %add3A_36 : vector<10000x128xf32>
    %swap3A = arith.constant 0 : index
    %swap3A_38 = arith.constant 0 : index
    %swap3A_39 = vector.load %arg4[%swap3A, %swap3A_38] : memref<10000x128xf32, #tpu.memory_space<vmem>>, vector<10000x128xf32>
    tpu.vector_store %arg4[%swap3A, %swap3A_38], %add3A_37 {strides = array<i32>} : memref<10000x128xf32, #tpu.memory_space<vmem>>, vector<10000x128xf32>,
    return
  }
}

</mosaic_0001>

<sc_bundles>
// kernel: kernel.4.cloned.1.call-start
scs
__scs_entry_jumppad:
0x0: {  	(pc) =	sbr.rel $0x88, $3  }
0x1: {  	(tag) =	ssettag $0x0;
	lr =	simm.s32 $0x1  }
0x2: {  	[smem:$0x3F9C] =	sst lr;
	_ =	strace $0xD0000000  }
0x3: {  	_ = 	snop  }
0x4: {  	_ = 	snop  }
0x5: {  	_ = 	snop  }
0x6: {  	_ = 	snop  }
0x7: {  	_ = 	snop  }
__scs_overlays_trampoline_lowered:
0x8: {  	[smem:$0x3FAB] =	sst s0  }
0x9: {  	[smem:$0x3FAC] =	sst s1  }
0xa: {  	[smem:$0x3FAD] =	sst s2  }
0xb: {  	[smem:$0x3FAE] =	sst s3  }
0xc: {  	[smem:$0x3FAF] =	sst s4  }
0xd: {  	[smem:$0x3FB0] =	sst s5  }
0xe: {  	[smem:$0x3FB1] =	sst s6  }
0xf: {  	[smem:$0x3FB2] =	sst s7  }
0x10: {  	[smem:$0x3FB3] =	sst s8  }
0x11: {  	[smem:$0x3FB4] =	sst s9;
	s0 =	simm.s32 @!p0 $0x0  }
0x12: {  	s1 =	sld [smem:$0x3F9A];
	s0 =	simm.s32 @p0 $0x1  }
0x13: {  	[smem:$0x3FB5] =	sst s0;
	s0 =	simm.s32 @!p1 $0x0  }
0x14: {  	s2 =	sld [smem:$0x3F99];
	s0 =	simm.s32 @p1 $0x1  }
0x15: {  	[smem:$0x3FB6] =	sst s0;
	s0 =	simm.s32 @!p2 $0x0  }
0x16: {  	s3 =	sld [smem:$0x3FDB];
	s0 =	simm.s32 @p2 $0x1  }
0x17: {  	s4 =	simm.s32 $0x1BF5;
	[smem:$0x3FB8] =	sst s0  }
0x18: {  	s0 =	sld [smem:$0x3F9B];
	_ =	swait.ge [sflag:s4], $0x0  }
0x19: {  	s7 =	sld [smem:$0x3F9C]  }
0x1a: {  	s8 =	sadd.s32 $0xFFFFE003, lr  }
0x1b: {  	s9 =	sadd.s32 $0xFFFFFEF7, lr;
	s5 =	simm.s32 $0xFFFFFFFF;
	p2 =	slt.u32 s8, $0xFFFFF086  }
0x1c: {  	p1 =	slt.u32 s9, $0xF7A;
	s5 =	simm.s32 @!p2 $0x0  }
0x1d: {  	s5 =	simm.s32 @p1 $0x1;
	p0 =	seq.s32 s7, s2  }
0x1e: {  	s7 =	smul.u32 @!p0 $0xF7A, s2;
	p2 =	seq.s32 @!p0 s5, $0x0  }
0x1f: {  	s9 =	smul.u32 $0xF7A, s1;
	s8 =	simm.s32 @!p0 $0x1BF5;
	p2 =	por !p2, p0  }
0x20: {  	[sflag:s8] =	ssyncset.s32 @!p0 $0xFFFFF086;
	s6 =	sadd.s32 @!p0 s3, s7;
	s7 =	simm.s32 @!p0 $0x108  }
0x21: {  	s3 =	sadd.s32 s3, s9;
	s6 =	sadd.s32 @!p0 $0x88, s6;
	s7 =	simm.s32 @p2 $0x1082  }
0x22: {  	[simem:s7], [sflag:s8] =	dma.local @!p0 [hbm:s6], $0xF7A  }
0x23: {  	s9 =	sor.u32 $0xD0000000, s2;
	s6 =	simm.s32 $0x108;
	_ =	swait.ge @!p0 [sflag:s8], $0x0  }
0x24: {  	s3 =	sadd.s32 $0x88, s3;
	s6 =	simm.s32 @!p1 $0x1082;
	[sflag:s4] =	ssyncset.s32 $0xFFFFF086  }
0x25: {  	[simem:s6], [sflag:s4] =	dma.local [hbm:s3], $0xF7A  }
0x26: {  	[smem:$0x3F9C] =	sst s1;
	(tag) =	ssettag s2;
	_ =	strace s9  }
0x27: {  	s1 =	sld [smem:$0x3FAC]  }
0x28: {  	s2 =	sld [smem:$0x3FAD]  }
0x29: {  	s4 =	sld [smem:$0x3FAF]  }
0x2a: {  	p0 =	seq.s32 s5, $0x0;
	s5 =	sld [smem:$0x3FB0]  }
0x2b: {  	s6 =	sld [smem:$0x3FB1]  }
0x2c: {  	s7 =	sld [smem:$0x3FB2]  }
0x2d: {  	s3 =	simm.s32 $0x108;
	s8 =	sld [smem:$0x3FB3]  }
0x2e: {  	s3 =	simm.s32 @!p0 $0x1082;
	s9 =	sld [smem:$0x3FB4]  }
0x2f: {  	lr =	sadd.s32 s0, s3;
	s0 =	sld [smem:$0x3FAB]  }
0x30: {  	s3 =	sld [smem:$0x3FAE]  }
0x31: {  	[smem:$0x3FB7] =	sst s10  }
0x32: {  	s10 =	sld [smem:$0x3FB5];
	_ =	sdelay $0x3  }
0x33: {  	p0 =	seq.s32 s10, $0x1;
	s10 =	sld [smem:$0x3FB7];
	_ =	sdelay $0x3  }
0x34: {  	[smem:$0x3FB7] =	sst s10  }
0x35: {  	s10 =	sld [smem:$0x3FB6];
	_ =	sdelay $0x3  }
0x36: {  	p1 =	seq.s32 s10, $0x1;
	s10 =	sld [smem:$0x3FB7];
	_ =	sdelay $0x3  }
0x37: {  	[smem:$0x3FB7] =	sst s10  }
0x38: {  	s10 =	sld [smem:$0x3FB8]  }
0x39: {  	_ = 	snop;
	(pc) =	sbr.ind lr, $3  }
0x3a: {  	_ = 	snop  }
0x3b: {  	_ = 	snop  }
0x3c: {  	p2 =	seq.s32 s10, $0x1;
	s10 =	sld [smem:$0x3FB7]  }
0x3d: {  	_ =	shalt  }
0x3e: {  	_ =	shalt  }
0x3f: {  	_ =	shalt  }
0x40: {  	_ =	shalt  }
0x41: {  	_ =	shalt  }
0x42: {  	_ =	shalt  }
0x43: {  	_ =	shalt  }
0x44: {  	_ =	shalt  }
0x45: {  	_ =	shalt  }
0x46: {  	_ =	shalt  }
0x47: {  	_ =	shalt  }
0x48: {  	_ =	shalt  }
0x49: {  	_ =	shalt  }
0x4a: {  	_ =	shalt  }
0x4b: {  	_ =	shalt  }
0x4c: {  	_ =	shalt  }
0x4d: {  	_ =	shalt  }
0x4e: {  	_ =	shalt  }
0x4f: {  	_ =	shalt  }
0x50: {  	_ =	shalt  }
0x51: {  	_ =	shalt  }
0x52: {  	_ =	shalt  }
0x53: {  	_ =	shalt  }
0x54: {  	_ =	shalt  }
0x55: {  	_ =	shalt  }
0x56: {  	_ =	shalt  }
0x57: {  	_ =	shalt  }
0x58: {  	_ =	shalt  }
0x59: {  	_ =	shalt  }
0x5a: {  	_ =	shalt  }
0x5b: {  	_ =	shalt  }
0x5c: {  	_ =	shalt  }
0x5d: {  	_ =	shalt  }
0x5e: {  	_ =	shalt  }
0x5f: {  	_ =	shalt  }
0x60: {  	_ =	shalt  }
0x61: {  	_ =	shalt  }
0x62: {  	_ =	shalt  }
0x63: {  	_ =	shalt  }
0x64: {  	_ =	shalt  }
0x65: {  	_ =	shalt  }
0x66: {  	_ =	shalt  }
0x67: {  	_ =	shalt  }
0x68: {  	_ =	shalt  }
0x69: {  	_ =	shalt  }
0x6a: {  	_ =	shalt  }
0x6b: {  	_ =	shalt  }
0x6c: {  	_ =	shalt  }
0x6d: {  	_ =	shalt  }
0x6e: {  	_ =	shalt  }
0x6f: {  	_ =	shalt  }
0x70: {  	_ =	shalt  }
0x71: {  	_ =	shalt  }
0x72: {  	_ =	shalt  }
0x73: {  	_ =	shalt  }
0x74: {  	_ =	shalt  }
0x75: {  	_ =	shalt  }
0x76: {  	_ =	shalt  }
0x77: {  	_ =	shalt  }
0x78: {  	_ =	shalt  }
0x79: {  	_ =	shalt  }
0x7a: {  	_ =	shalt  }
0x7b: {  	_ =	shalt  }
0x7c: {  	_ =	shalt  }
0x7d: {  	_ =	shalt  }
0x7e: {  	_ =	shalt  }
0x7f: {  	_ =	shalt  }
0x80: {  	_ =	shalt  }
0x81: {  	_ =	shalt  }
0x82: {  	_ =	shalt  }
0x83: {  	_ =	shalt  }
0x84: {  	_ =	shalt  }
0x85: {  	_ =	shalt  }
0x86: {  	_ =	shalt  }
0x87: {  	_ =	shalt  }
.Lfunc_end0:
.L_simem_size_0:
called_computation_lowered:
.L_overlay_start_0:
0x88: {  	s2 =	sld [smem:$0x3FD9]  }
0x89: {  	s3 =	sld [smem:$0x3FFE];
	_ =	sdelay $0x1  }
0x8a: {  	s1 =	srdreg.scid  }
0x8b: {  	s0 =	sand.u32 $0x1, s1  }
0x8c: {  	s17 =	sshll.u32 s0, $0xA;
	s2 =	sadd.s32 s3, s2  }
0x8d: {  	s2 =	sadd.s32 s2, s17  }
0x8e: {  	[smem:$0x3FC3] =	sst s2  }
0x8f: {  	_ = 	snop  }
0x90: {  	s2 =	sld [smem:$0x3FC9]  }
0x91: {  	s18 =	sld [smem:$0x3FD0];
	(tm) =	ssettm $0x1  }
0x92: {  	s4 =	sld [smem:$0x3FFB];
	_ =	sdelay $0x3  }
0x93: {  	_ =	strace s4  }
0x94: {  	s4 =	sld [smem:$0x3FFC];
	_ =	sdelay $0x3  }
0x95: {  	_ =	strace s4  }
0x96: {  	s4 =	sld [smem:$0x3FFD];
	_ =	sdelay $0x3  }
0x97: {  	_ =	strace s4  }
0x98: {  	_ =	strace $0x8FFFFFFF  }
0x99: {  	s19 =	sld [smem:$0x3FDB];
	_ =	sdelay $0x1  }
0x9a: {  	s5 =	simm.s32 $_scs_section_size  }
0x9b: {  	s6 =	simm.s32 $_size__tile_overlayer_lowered;
	s7 =	simm.s32 $_tile_overlayer_lowered  }
0x9c: {  	s22 =	simm.s32 $0x1BFF;
	s21 =	sshll.u32 s7, $0x1;
	s4 =	sadd.s32 s5, s19  }
0x9d: {  	s8 =	simm.s32 $0x0;
	s20 =	sshll.u32 s6, $0x1;
	s6 =	sadd.s32 s21, s4  }
0x9e: {  	[timem:s8], [sflag:s22] =	dma.local [hbm:s6], s20  }
0x9f: {  	_ =	swait.ge [sflag:s22], s20  }
0xa0: {  	s5 =	ssub.s32 $0x0, s20;
	[sflag:s22] =	ssyncset.done $0x0  }
0xa1: {  	[sflag:s22] =	ssyncadd.s32 s5;
	_ =	sdelay $0x1  }
0xa2: {  	s23 =	simm.s32 $0x1B8B  }
0xa3: {  	_ =	swait.ge [sflag:s23], $0x1  }
0xa4: {  	[sflag:s23] =	ssyncset.done $0x0  }
0xa5: {  	s25 =	simm.s32 $0x1B8E;
	s24 =	sld [smem:$0x3FFE];
	[sflag:s23] =	ssyncadd.s32 $0xFFFFFFFF  }
0xa6: {  	s26 =	simm.s32 $execute0_lowered;
	[smem:$0x3FD2] =	sst s25  }
0xa7: {  	s6 =	sshll.u32 s26, $0x1;
	_ =	strace $0x80000046;
	[dreg:$0x1] =	wrdreg $0xFFFFFFFF  }
0xa8: {  	s28 =	simm.s32 $_size_execute0_lowered;
	s4 =	sadd.s32 s4, s6;
	[dreg:$0x0] =	wrdreg $0x0  }
0xa9: {  	s6 =	sshll.u32 s28, $0x1;
	[dreg:$0x2] =	wrdreg s4  }
0xaa: {  	[dreg:$0x3] =	wrdreg s6  }
0xab: {  	[dreg:$0x4] =	wrdreg $0xC0  }
0xac: {  	_ =	task [dreg:s8], $0x5FFFF  }
0xad: {  	[dreg:$0x1] =	wrdreg $0xFFFFFFFF  }
0xae: {  	[dreg:$0x0] =	wrdreg $0x60  }
0xaf: {  	[dreg:$0x2] =	wrdreg s18  }
0xb0: {  	[dreg:$0x3] =	wrdreg s2  }
0xb1: {  	[dreg:$0x4] =	wrdreg s24  }
0xb2: {  	[dreg:$0x5] =	wrdreg $0xA8000  }
0xb3: {  	[dreg:$0x6] =	wrdreg $0x9  }
0xb4: {  	_ =	task.clear_ibuf [dreg:s8], $0x7FFFF;
	_ =	strace $0x90000046  }
0xb5: {  	s29 =	simm.s32 $0x9;
	_ =	strace $0x80000048  }
0xb6: {  	_ =	swait.ge [sflag:s29], $0x1  }
0xb7: {  	[sflag:s29] =	ssyncadd.s32 $0xFFFFFFFF  }
0xb8: {  	_ =	strace $0x90000048  }
0xb9: {  	_ =	sfence  }
0xba: {  	s30 =	sld [smem:$0x0];
	_ =	sdelay $0x2  }
0xbb: {  	s31 =	sshll.u32 s1, $0xD;
	s1 =	sshrl.u32 s1, $0x2  }
0xbc: {  	s3 =	sand.u32 $0x4000, s31;
	s1 =	sadd.s32 s1, s30  }
0xbd: {  	s0 =	sor.u32 s3, s0;
	s1 =	sshll.u32 s1, $0x11  }
0xbe: {  	s0 =	sor.u32 s1, s0  }
0xbf: {  	s0 =	sadd.s32 $0x8F2B, s0  }
0xc0: {  	[sflag:s0] =	ssyncadd.remote.s32 $0x1  }
0xc1: {  	_ =	sfence.sel $0xFFFF  }
0xc2: {  	[dreg:$0x0] =	wrdreg $0xFFFFFFFF;
	(pc) =	sbr.abs _section_cstart, $3  }
0xc3: {  	[dreg:$0x1] =	wrdreg $0xFFFFFFFF  }
0xc4: {  	_ =	task.clear_ibuf [dreg:s8], $0x2FFFF;
	_ =	strace $0x9FFFFFFF  }
0xc5: {  	(tm) =	ssettm $0x7FFFFFFF  }
tec
execute0_lowered:
.L_overlay_start_1:
0x0: {  	(tag) =	ssettag $0x1  }
0x1: {  	s6 =	rddreg [dreg:$0x0]  }
0x2: {  	s1 =	rddreg [dreg:$0x1]  }
0x3: {  	s7 =	rddreg [dreg:$0x2]  }
0x4: {  	s2 =	rddreg [dreg:$0x3];
	s3 =	srdreg.scid  }
0x5: {  	s0 =	rddreg [dreg:$0x4];
	s4 =	simm.s32 $0x0;
	s15 =	simm.s32 $0x1400  }
0x6: {  	s16 =	simm.s32 $0x7D;
	s17 =	simm.s32 $0x2800;
	s18 =	simm.s32 $0x6800  }
0x7: {  	s19 =	simm.s32 $0x1;
	s20 =	simm.s32 $0x2;
	s21 =	simm.s32 $0x1380  }
0x8: {  	s22 =	simm.s32 $0x2700;
	s5 =	sand.u32 $0x1, s3;
	s3 =	stileid.u32  }
0x9: {  	s23 =	simm.s32 $0x2780;
	[smem:$0x7FF] =	sst s4;
	s8 =	smul.u32 $0x13C000, s5  }
0xa: {  	s24 =	simm.s32 $0x0;
	s9 =	smul.u32 $0x13C00, s3;
	_ =	strace $0x80000047  }
0xb: {  	s10 =	sshll.u32 s3, $0x1;
	s26 =	smul.u32 $0x4F000, s3;
	s11 =	ssub.s32 $0x2, s5  }
0xc: {  	s31 =	sshll.u32 s3, $0x6;
	s25 =	sor.u32 s5, s10;
	s5 =	sadd.s32 $0xC00, s7  }
0xd: {  	s28 =	sshrl.u32 s11, $0x1;
	s8 =	sadd.s32 s9, s8;
	s9 =	smul.u32 $0x2800, s25  }
0xe: {  	s13 =	ssub.s32 s11, s28;
	s29 =	sshrl.u32 s26, $0x2;
	s8 =	sshrl.u32 s8, $0x3  }
0xf: {  	s14 =	sadd.s32 s29, s2;
	s12 =	sadd.s32 s8, s7;
	s30 =	sshrl.u32 s9, $0x3  }
0x10: {  	s7 =	sor.u32 $0x1C03, s31;
	s6 =	sadd.s32 s6, s30;
	s11 =	sadd.s32 $0x3400, s12  }
0x11: {  	s12 =	smax.u32 s13, $0x1;
	s13 =	sshrl.u32 s14, $0x3;
	s14 =	simm.s32 $0x3  }
0x12: {  	s8 =	sadd.s32 $0xA000, s6;
	s9 =	sadd.s32 $0x280, s6;
	s10 =	sadd.s32 $0xA280, s6  }
.LBB2_1:
0x13: {  	[spmem:s13], [sflag:s7] =	dma.local [hbm:s5], $0x2780  }
0x14: {  	_ =	swait.ge [sflag:s14], $0x2780  }
0x15: {  	[sflag:s14] =	ssyncset.done $0x0  }
0x16: {  	[sflag:s14] =	ssyncadd.s32 $0xFFFFD880  }
0x17: {  	[bflag:$0x0] =	sbarrier.arrive $0xFFFF  }
0x18: {  	[tilespmem:s4], [sflag:$0x3] =	stream.linear.gather [hbm4b:s6+s4], $0x1400, $0x38;
	[tilespmem:$0x1E400] =	vst v63  }
0x19: {  	_ =	swait.ge [sflag:s14], $0x1400  }
0x1a: {  	[sflag:s14] =	ssyncset.done $0x0  }
0x1b: {  	[sflag:s14] =	ssyncadd.s32 $0xFFFFEC00  }
0x1c: {  	[tilespmem:s15], [sflag:$0x3] =	stream.linear.gather [hbm4b:s8+s4], $0x1400, $0x38;
	[tilespmem:$0x1E400] =	vst v63  }
0x1d: {  	_ =	swait.ge [sflag:s14], $0x1400  }
0x1e: {  	[sflag:s14] =	ssyncset.done $0x0  }
0x1f: {  	[sflag:s14] =	ssyncadd.s32 $0xFFFFEC00  }
0x20: {  	[tilespmem:s17], [sflag:$0x1] =	stream.indirect.gather [hbm4b:s1+s16], $0x80, s4, s16, $0xb8;
	[tilespmem:$0x1E400] =	vst v63  }
0x21: {  	s25 =	simm.s32 $0x80  }
0x22: {  	[tilespmem:s18], [sflag:$0x2] =	stream.indirect.gather [hbm4b:s1+s16], $0x80, s25, s16, $0xb8;
	[tilespmem:$0x1E400] =	vst v63  }
0x23: {  	_ =	swait.ge [sflag:s19], $0x3E80  }
0x24: {  	[sflag:s19] =	ssyncset.done $0x0  }
0x25: {  	s29 =	simm.s32 $0x1400;
	[sflag:s19] =	ssyncadd.s32 $0xFFFFC180  }
0x26: {  	[spmem:s2] =	stream.indirect.scatter.add.f32 [tilespmem:s17], [sflag:$0x3], $0x80, s29, s16, $0xb8;
	[tilespmem:$0x1E400] =	vst v63  }
0x27: {  	_ =	swait.ge [sflag:s14], $0x3E80  }
0x28: {  	[sflag:s14] =	ssyncset.done $0x0  }
0x29: {  	s30 =	simm.s32 $0x100;
	[sflag:s14] =	ssyncadd.s32 $0xFFFFC180  }
0x2a: {  	[tilespmem:s17], [sflag:$0x1] =	stream.indirect.gather [hbm4b:s1+s16], $0x80, s30, s16, $0xb8;
	[tilespmem:$0x1E400] =	vst v63  }
0x2b: {  	_ =	swait.ge [sflag:s20], $0x3E80  }
0x2c: {  	[sflag:s20] =	ssyncset.done $0x0  }
0x2d: {  	s31 =	simm.s32 $0x1480;
	[sflag:s20] =	ssyncadd.s32 $0xFFFFC180  }
0x2e: {  	[spmem:s2] =	stream.indirect.scatter.add.f32 [tilespmem:s18], [sflag:$0x3], $0x80, s31, s16, $0xb8;
	[tilespmem:$0x1E400] =	vst v63  }
0x2f: {  	_ =	swait.ge [sflag:s14], $0x3E80  }
0x30: {  	s26 =	simm.s32 $0x800;
	s25 =	simm.s32 $0x100;
	[sflag:s14] =	ssyncset.done $0x0  }
.LBB2_2:
0x31: {  	s28 =	sadd.s32 $0x80, s25  }
0x32: {  	[sflag:s14] =	ssyncadd.s32 $0xFFFFC180;
	s29 =	smov.u32 s26;
	s30 =	sadd.s32 $0x400, s26  }
0x33: {  	[tilespmem:s18], [sflag:$0x2] =	stream.indirect.gather [hbm4b:s1+s16], $0x80, s28, s16, $0xb8;
	[tilespmem:$0x1E400] =	vst v63  }
0x34: {  	p0 =	sne.s32 s26, $0x4800;
	_ =	swait.ge [sflag:s19], $0x3E80  }
0x35: {  	[sflag:s19] =	ssyncset.done $0x0  }
0x36: {  	s26 =	sadd.s32 $0x1400, s25;
	[sflag:s19] =	ssyncadd.s32 $0xFFFFC180  }
0x37: {  	[spmem:s2] =	stream.indirect.scatter.add.f32 [tilespmem:s17], [sflag:$0x3], $0x80, s26, s16, $0xb8;
	[tilespmem:$0x1E400] =	vst v63  }
0x38: {  	_ =	swait.ge [sflag:s14], $0x3E80  }
0x39: {  	[sflag:s14] =	ssyncset.done $0x0  }
0x3a: {  	s26 =	sadd.s32 $0x100, s25;
	[sflag:s14] =	ssyncadd.s32 $0xFFFFC180  }
0x3b: {  	[tilespmem:s17], [sflag:$0x1] =	stream.indirect.gather [hbm4b:s1+s16], $0x80, s26, s16, $0xb8;
	[tilespmem:$0x1E400] =	vst v63  }
0x3c: {  	_ =	swait.ge [sflag:s20], $0x3E80  }
.Ltmp0:
0x3d: {  	[sflag:s20] =	ssyncset.done $0x0;
	(pc) =	sbr.rel @p0 .LBB2_2-.Ltmp0, $4  }
0x3e: {  	s25 =	sadd.s32 $0x1480, s25;
	[sflag:s20] =	ssyncadd.s32 $0xFFFFC180  }
0x3f: {  	[spmem:s2] =	stream.indirect.scatter.add.f32 [tilespmem:s18], [sflag:$0x3], $0x80, s25, s16, $0xb8;
	[tilespmem:$0x1E400] =	vst v63  }
0x40: {  	_ =	swait.ge [sflag:s14], $0x3E80  }
0x41: {  	s26 =	smov.u32 s30;
	s25 =	sshra.s32 s29, $0x2;
	[sflag:s14] =	ssyncset.done $0x0  }
0x42: {  	s26 =	sadd.s32 $0x80, s25;
	[sflag:s14] =	ssyncadd.s32 $0xFFFFC180  }
0x43: {  	[tilespmem:s18], [sflag:$0x2] =	stream.indirect.gather [hbm4b:s1+s16], $0x80, s26, s16, $0xb8;
	[tilespmem:$0x1E400] =	vst v63  }
0x44: {  	_ =	swait.ge [sflag:s19], $0x3E80  }
0x45: {  	[sflag:s19] =	ssyncset.done $0x0  }
0x46: {  	s29 =	sadd.s32 $0x1400, s25;
	[sflag:s19] =	ssyncadd.s32 $0xFFFFC180  }
0x47: {  	[spmem:s2] =	stream.indirect.scatter.add.f32 [tilespmem:s17], [sflag:$0x3], $0x80, s29, s16, $0xb8;
	[tilespmem:$0x1E400] =	vst v63  }
0x48: {  	_ =	swait.ge [sflag:s14], $0x3E80  }
0x49: {  	[sflag:s14] =	ssyncset.done $0x0  }
0x4a: {  	s30 =	sadd.s32 $0x100, s25;
	[sflag:s14] =	ssyncadd.s32 $0xFFFFC180  }
0x4b: {  	[tilespmem:s17], [sflag:$0x1] =	stream.indirect.gather [hbm4b:s1+s16], $0x80, s30, s16, $0xb8;
	[tilespmem:$0x1E400] =	vst v63  }
0x4c: {  	_ =	swait.ge [sflag:s20], $0x3E80  }
0x4d: {  	[sflag:s20] =	ssyncset.done $0x0  }
0x4e: {  	s31 =	sadd.s32 $0x1480, s25;
	[sflag:s20] =	ssyncadd.s32 $0xFFFFC180  }
0x4f: {  	[spmem:s2] =	stream.indirect.scatter.add.f32 [tilespmem:s18], [sflag:$0x3], $0x80, s31, s16, $0xb8;
	[tilespmem:$0x1E400] =	vst v63  }
0x50: {  	_ =	swait.ge [sflag:s14], $0x3E80  }
0x51: {  	[sflag:s14] =	ssyncset.done $0x0  }
0x52: {  	[sflag:s14] =	ssyncadd.s32 $0xFFFFC180  }
0x53: {  	[tilespmem:s18], [sflag:$0x2] =	stream.indirect.gather [hbm4b:s1+s16], $0x80, s21, s16, $0xb8;
	[tilespmem:$0x1E400] =	vst v63  }
0x54: {  	_ =	swait.ge [sflag:s19], $0x3E80  }
0x55: {  	[sflag:s19] =	ssyncset.done $0x0  }
0x56: {  	[sflag:s19] =	ssyncadd.s32 $0xFFFFC180  }
0x57: {  	[spmem:s2] =	stream.indirect.scatter.add.f32 [tilespmem:s17], [sflag:$0x3], $0x80, s22, s16, $0xb8;
	[tilespmem:$0x1E400] =	vst v63  }
0x58: {  	_ =	swait.ge [sflag:s14], $0x3E80  }
0x59: {  	[sflag:s14] =	ssyncset.done $0x0  }
0x5a: {  	[sflag:s14] =	ssyncadd.s32 $0xFFFFC180  }
0x5b: {  	_ =	swait.ge [sflag:s20], $0x3E80  }
0x5c: {  	[sflag:s20] =	ssyncset.done $0x0  }
0x5d: {  	[sflag:s20] =	ssyncadd.s32 $0xFFFFC180  }
0x5e: {  	[spmem:s2] =	stream.indirect.scatter.add.f32 [tilespmem:s18], [sflag:$0x3], $0x80, s23, s16, $0xb8;
	[tilespmem:$0x1E400] =	vst v63  }
0x5f: {  	_ =	swait.ge [sflag:s14], $0x3E80  }
0x60: {  	[sflag:s14] =	ssyncset.done $0x0  }
0x61: {  	s26 =	simm.s32 $0x0;
	[sflag:s14] =	ssyncadd.s32 $0xFFFFC180  }
0x62: {  	[tilespmem:s26], [sflag:$0x3] =	stream.linear.gather [hbm4b:s9+s26], $0x1400, $0x38;
	[tilespmem:$0x1E400] =	vst v63  }
0x63: {  	_ =	swait.ge [sflag:s14], $0x1400  }
0x64: {  	[sflag:s14] =	ssyncset.done $0x0  }
0x65: {  	[sflag:s14] =	ssyncadd.s32 $0xFFFFEC00  }
0x66: {  	[tilespmem:s15], [sflag:$0x3] =	stream.linear.gather [hbm4b:s10+s26], $0x1400, $0x38;
	[tilespmem:$0x1E400] =	vst v63  }
0x67: {  	_ =	swait.ge [sflag:s14], $0x1400  }
0x68: {  	[sflag:s14] =	ssyncset.done $0x0  }
0x69: {  	[sflag:s14] =	ssyncadd.s32 $0xFFFFEC00  }
0x6a: {  	[tilespmem:s17], [sflag:$0x1] =	stream.indirect.gather [hbm4b:s1+s16], $0x80, s26, s16, $0xb8;
	[tilespmem:$0x1E400] =	vst v63  }
0x6b: {  	s28 =	simm.s32 $0x80  }
0x6c: {  	[tilespmem:s18], [sflag:$0x2] =	stream.indirect.gather [hbm4b:s1+s16], $0x80, s28, s16, $0xb8;
	[tilespmem:$0x1E400] =	vst v63  }
0x6d: {  	_ =	swait.ge [sflag:s19], $0x3E80  }
0x6e: {  	[sflag:s19] =	ssyncset.done $0x0  }
0x6f: {  	s29 =	simm.s32 $0x1400;
	[sflag:s19] =	ssyncadd.s32 $0xFFFFC180  }
0x70: {  	[spmem:s2] =	stream.indirect.scatter.add.f32 [tilespmem:s17], [sflag:$0x3], $0x80, s29, s16, $0xb8;
	[tilespmem:$0x1E400] =	vst v63  }
0x71: {  	_ =	swait.ge [sflag:s14], $0x3E80  }
0x72: {  	[sflag:s14] =	ssyncset.done $0x0  }
0x73: {  	s30 =	simm.s32 $0x100;
	[sflag:s14] =	ssyncadd.s32 $0xFFFFC180  }
0x74: {  	[tilespmem:s17], [sflag:$0x1] =	stream.indirect.gather [hbm4b:s1+s16], $0x80, s30, s16, $0xb8;
	[tilespmem:$0x1E400] =	vst v63  }
0x75: {  	_ =	swait.ge [sflag:s20], $0x3E80  }
0x76: {  	[sflag:s20] =	ssyncset.done $0x0  }
0x77: {  	s31 =	simm.s32 $0x1480;
	[sflag:s20] =	ssyncadd.s32 $0xFFFFC180  }
0x78: {  	[spmem:s2] =	stream.indirect.scatter.add.f32 [tilespmem:s18], [sflag:$0x3], $0x80, s31, s16, $0xb8;
	[tilespmem:$0x1E400] =	vst v63  }
0x79: {  	_ =	swait.ge [sflag:s14], $0x3E80  }
0x7a: {  	s25 =	simm.s32 $0x100;
	s26 =	simm.s32 $0x800;
	[sflag:s14] =	ssyncset.done $0x0  }
.LBB2_4:
0x7b: {  	s28 =	sadd.s32 $0x80, s25  }
0x7c: {  	[sflag:s14] =	ssyncadd.s32 $0xFFFFC180;
	s29 =	smov.u32 s26;
	s30 =	sadd.s32 $0x400, s26  }
0x7d: {  	[tilespmem:s18], [sflag:$0x2] =	stream.indirect.gather [hbm4b:s1+s16], $0x80, s28, s16, $0xb8;
	[tilespmem:$0x1E400] =	vst v63  }
0x7e: {  	p0 =	sne.s32 s26, $0x4800;
	_ =	swait.ge [sflag:s19], $0x3E80  }
0x7f: {  	[sflag:s19] =	ssyncset.done $0x0  }
0x80: {  	s26 =	sadd.s32 $0x1400, s25;
	[sflag:s19] =	ssyncadd.s32 $0xFFFFC180  }
0x81: {  	[spmem:s2] =	stream.indirect.scatter.add.f32 [tilespmem:s17], [sflag:$0x3], $0x80, s26, s16, $0xb8;
	[tilespmem:$0x1E400] =	vst v63  }
0x82: {  	_ =	swait.ge [sflag:s14], $0x3E80  }
0x83: {  	[sflag:s14] =	ssyncset.done $0x0  }
0x84: {  	s26 =	sadd.s32 $0x100, s25;
	[sflag:s14] =	ssyncadd.s32 $0xFFFFC180  }
0x85: {  	[tilespmem:s17], [sflag:$0x1] =	stream.indirect.gather [hbm4b:s1+s16], $0x80, s26, s16, $0xb8;
	[tilespmem:$0x1E400] =	vst v63  }
0x86: {  	_ =	swait.ge [sflag:s20], $0x3E80  }
.Ltmp1:
0x87: {  	[sflag:s20] =	ssyncset.done $0x0;
	(pc) =	sbr.rel @p0 .LBB2_4-.Ltmp1, $4  }
0x88: {  	s25 =	sadd.s32 $0x1480, s25;
	[sflag:s20] =	ssyncadd.s32 $0xFFFFC180  }
0x89: {  	[spmem:s2] =	stream.indirect.scatter.add.f32 [tilespmem:s18], [sflag:$0x3], $0x80, s25, s16, $0xb8;
	[tilespmem:$0x1E400] =	vst v63  }
0x8a: {  	_ =	swait.ge [sflag:s14], $0x3E80  }
0x8b: {  	s26 =	smov.u32 s30;
	s25 =	sshra.s32 s29, $0x2;
	[sflag:s14] =	ssyncset.done $0x0  }
0x8c: {  	s26 =	sadd.s32 $0x80, s25;
	[sflag:s14] =	ssyncadd.s32 $0xFFFFC180  }
0x8d: {  	[tilespmem:s18], [sflag:$0x2] =	stream.indirect.gather [hbm4b:s1+s16], $0x80, s26, s16, $0xb8;
	[tilespmem:$0x1E400] =	vst v63  }
0x8e: {  	_ =	swait.ge [sflag:s19], $0x3E80  }
0x8f: {  	[sflag:s19] =	ssyncset.done $0x0  }
0x90: {  	s29 =	sadd.s32 $0x1400, s25;
	[sflag:s19] =	ssyncadd.s32 $0xFFFFC180  }
0x91: {  	[spmem:s2] =	stream.indirect.scatter.add.f32 [tilespmem:s17], [sflag:$0x3], $0x80, s29, s16, $0xb8;
	[tilespmem:$0x1E400] =	vst v63  }
0x92: {  	_ =	swait.ge [sflag:s14], $0x3E80  }
0x93: {  	[sflag:s14] =	ssyncset.done $0x0  }
0x94: {  	s30 =	sadd.s32 $0x100, s25;
	[sflag:s14] =	ssyncadd.s32 $0xFFFFC180  }
0x95: {  	[tilespmem:s17], [sflag:$0x1] =	stream.indirect.gather [hbm4b:s1+s16], $0x80, s30, s16, $0xb8;
	[tilespmem:$0x1E400] =	vst v63  }
0x96: {  	_ =	swait.ge [sflag:s20], $0x3E80  }
0x97: {  	[sflag:s20] =	ssyncset.done $0x0  }
0x98: {  	s31 =	sadd.s32 $0x1480, s25;
	[sflag:s20] =	ssyncadd.s32 $0xFFFFC180  }
0x99: {  	[spmem:s2] =	stream.indirect.scatter.add.f32 [tilespmem:s18], [sflag:$0x3], $0x80, s31, s16, $0xb8;
	[tilespmem:$0x1E400] =	vst v63  }
0x9a: {  	_ =	swait.ge [sflag:s14], $0x3E80  }
0x9b: {  	[sflag:s14] =	ssyncset.done $0x0  }
0x9c: {  	[sflag:s14] =	ssyncadd.s32 $0xFFFFC180  }
0x9d: {  	[tilespmem:s18], [sflag:$0x2] =	stream.indirect.gather [hbm4b:s1+s16], $0x80, s21, s16, $0xb8;
	[tilespmem:$0x1E400] =	vst v63  }
0x9e: {  	_ =	swait.ge [sflag:s19], $0x3E80  }
0x9f: {  	[sflag:s19] =	ssyncset.done $0x0  }
0xa0: {  	[sflag:s19] =	ssyncadd.s32 $0xFFFFC180  }
0xa1: {  	[spmem:s2] =	stream.indirect.scatter.add.f32 [tilespmem:s17], [sflag:$0x3], $0x80, s22, s16, $0xb8;
	[tilespmem:$0x1E400] =	vst v63  }
0xa2: {  	_ =	swait.ge [sflag:s14], $0x3E80  }
0xa3: {  	[sflag:s14] =	ssyncset.done $0x0  }
0xa4: {  	[sflag:s14] =	ssyncadd.s32 $0xFFFFC180  }
0xa5: {  	_ =	swait.ge [sflag:s20], $0x3E80  }
0xa6: {  	[sflag:s20] =	ssyncset.done $0x0  }
0xa7: {  	[sflag:s20] =	ssyncadd.s32 $0xFFFFC180  }
0xa8: {  	[spmem:s2] =	stream.indirect.scatter.add.f32 [tilespmem:s18], [sflag:$0x3], $0x80, s23, s16, $0xb8;
	[tilespmem:$0x1E400] =	vst v63  }
0xa9: {  	_ =	swait.ge [sflag:s14], $0x3E80  }
0xaa: {  	s24 =	sadd.s32 $0x1, s24;
	[sflag:s14] =	ssyncset.done $0x0  }
0xab: {  	p0 =	sne.s32 s24, s12;
	[sflag:s14] =	ssyncadd.s32 $0xFFFFC180  }
.Ltmp2:
0xac: {  	[bflag:$0x0] =	sbarrier.arrive $0xFFFF;
	(pc) =	sbr.rel @p0 .LBB2_1-.Ltmp2, $4  }
0xad: {  	[hbm:s11], [sflag:s7] =	dma.local [spmem:s13], $0x2780  }
0xae: {  	_ =	swait.ge [sflag:s14], $0x2780  }
0xaf: {  	[sflag:s14] =	ssyncset.done $0x0  }
0xb0: {  	[sflag:s14] =	ssyncadd.s32 $0xFFFFD880  }
0xb1: {  	_ =	sfence.sel $0x180000  }
0xb2: {  	[bflag:$0x0] =	sbarrier.arrive $0xFFFF  }
0xb3: {  	p0 =	sne.s32 s3, $0x0;
	_ =	strace $0x90000047  }
0xb4: {  	s0 =	sadd.s32 @!p0 $0x100000, s0;
	[bflag:$0x2] =	sbarrier.arrive $0xFFFF  }
0xb5: {  	[sflag:s0] =	ssyncadd.tile.s32 @!p0 $0x1;
	_ =	shalt  }
.Lfunc_end2:
_tile_overlayer_lowered:
.L_overlay_start_2:
0xb6: {  	(tag) =	ssettag $0x2  }
0xb7: {  	s0 =	rddreg [dreg:$0x0];
	s2 =	stileid.u32  }
0xb8: {  	s1 =	rddreg [dreg:$0x1];
	p0 =	sne.s32 s2, $0x0  }
0xb9: {  	s3 =	rddreg [dreg:$0x2];
	[bflag:$0x3] =	sbarrier.arrive $0xFFFF;
	s2 =	simm.s32 @!p0 $0x1C03  }
0xba: {  	[timem:s3], [sflag:s2] =	dma.local @!p0 [hbm:s0], s1  }
0xbb: {  	s0 =	simm.s32 @!p0 $0x3  }
0xbc: {  	_ =	swait.ge @!p0 [sflag:s0], s1  }
0xbd: {  	s1 =	ssub.s32 @!p0 $0x0, s1;
	[sflag:s0] =	ssyncset.done @!p0 $0x0  }
0xbe: {  	[sflag:s0] =	ssyncadd.s32 @!p0 s1  }
0xbf: {  	[bflag:$0x3] =	sbarrier.arrive $0xFFFF  }
0xc0: {  	_ =	shalt  }

</sc_bundles>
